<compile_context>
chip_gen: v7x
topology: tpu7x:2x2x1
jax: 0.10.2.dev20260603
libtpu: 0.0.44.dev20260713+nightly
codegen_flags: <defaults>
</compile_context>

<pallas_src>
import functools
import math

import jax
import jax.numpy as jnp
from jax import lax
from jax.experimental import pallas as pl
from jax.experimental.pallas import tpu as pltpu
from jax.experimental.pallas import tpu_sc as plsc

B = 1024
D = 64
K = 100000
TEMP = 0.05
CK = 2048
SUB = 2048
NSTEPS = (K + CK - 1) // CK
K_PAD = NSTEPS * CK
LOG2E = math.log2(math.e)
SCALE = LOG2E / TEMP

SC_CORES = 2
SC_SUBCORES = 16
NW = SC_CORES * SC_SUBCORES
BPW = B // NW


BPC = B // SC_CORES


def _gather_rows(table_hbm, idx_hbm, out_hbm, idx_s, sem):
    cid = lax.axis_index("c")
    base = cid * BPC

    pltpu.sync_copy(idx_hbm.at[pl.ds(base, BPC)], idx_s)

    def body(j, carry):
        idx = idx_s[j]
        pltpu.async_copy(table_hbm.at[pl.ds(idx, 1), :],
                         out_hbm.at[pl.ds(base + j, 1), :], sem)
        return carry

    lax.fori_loop(0, BPC, body, 0)

    def drain(j, carry):
        pltpu.make_async_copy(table_hbm.at[pl.ds(0, 1), :],
                              out_hbm.at[pl.ds(base, 1), :], sem).wait()
        return carry

    lax.fori_loop(0, BPC, drain, 0)


def _sc_gather(table, idx):
    mesh = plsc.ScalarSubcoreMesh(axis_name="c", num_cores=SC_CORES)
    return pl.kernel(
        _gather_rows,
        mesh=mesh,
        out_type=jax.ShapeDtypeStruct((B, D), jnp.float32),
        scratch_types=[
            pltpu.SMEM((BPC,), jnp.int32),
            pltpu.SemaphoreType.DMA,
        ],
    )(table, idx)


def _slice_sum(e):
    s = e[:, 0:128]
    for j in range(1, SUB // 128):
        s = s + e[:, j * 128:(j + 1) * 128]
    return s


def _sum_kernel(x_ref, f_ref, s_ref, xn_ref, acc_ref, l_ref):
    i = pl.program_id(0)

    @pl.when(i == 0)
    def _init():
        x = x_ref[...]
        norm = jnp.sqrt(jnp.sum(x * x, axis=1, keepdims=True))
        xn_ref[...] = (x * (SCALE / jnp.maximum(norm, 1e-12))).astype(jnp.bfloat16)
        acc_ref[...] = jnp.zeros_like(acc_ref)
        l_ref[...] = jnp.zeros_like(l_ref)

    par = i % 2
    lg = l_ref[1 - par]
    acc_ref[...] += _slice_sum(
        jnp.exp2(lg.astype(jnp.bfloat16))).astype(jnp.float32)
    l_ref[par] = jax.lax.dot_general(
        xn_ref[...], f_ref[...].astype(jnp.bfloat16),
        (((1,), (1,)), ((), ())),
        preferred_element_type=jnp.float32)

    @pl.when(i == NSTEPS)
    def _fini():
        s_ref[...] = (jnp.sum(acc_ref[...], axis=1, keepdims=True)
                      - float(CK + K_PAD - K))


def _combine_kernel(x_ref, g_ref, s_ref, out_ref):
    x = x_ref[...]
    norm = jnp.sqrt(jnp.sum(x * x, axis=1, keepdims=True))
    xn = x * ((1.0 / TEMP) / jnp.maximum(norm, 1e-12))
    tgt = jnp.sum(xn * g_ref[...], axis=1, keepdims=True)
    out_ref[...] = jnp.mean(jnp.log(s_ref[...]) - tgt).reshape(1, 1)


@jax.jit
def _run(inputs, corrected_targets, features):
    ct = corrected_targets.astype(jnp.int32)
    g = _sc_gather(features, ct)
    s = pl.pallas_call(
        _sum_kernel,
        grid=(NSTEPS + 1,),
        in_specs=[
            pl.BlockSpec((B, D), lambda i: (0, 0)),
            pl.BlockSpec((CK, D), lambda i: (jnp.minimum(i, NSTEPS - 1), 0)),
        ],
        out_specs=pl.BlockSpec((B, 1), lambda i: (0, 0)),
        out_shape=jax.ShapeDtypeStruct((B, 1), jnp.float32),
        scratch_shapes=[
            pltpu.VMEM((B, D), jnp.bfloat16),
            pltpu.VMEM((B, 128), jnp.float32),
            pltpu.VMEM((2, B, CK), jnp.float32),
        ],
    )(inputs, jnp.pad(features, ((0, K_PAD - K), (0, 0))))
    out = pl.pallas_call(
        _combine_kernel,
        out_shape=jax.ShapeDtypeStruct((1, 1), jnp.float32),
    )(inputs, g, s)
    return out[0, 0]


def kernel(inputs, targets, corrected_targets, features):
    del targets
    return _run(inputs, corrected_targets, features)

# --- scband reference (transcript-rebuilt; emitter-appended) ---
"""Pipeline reference for scband-cluster-memory-47923245088802 (READ-ONLY COPY).

The authoritative reference and input builder live on the scoring server;
editing this copy changes nothing except your own understanding.
"""

import jax, jax.numpy as jnp
import numpy as np

B = 1024
D = 64
K = 100000
TEMP = 0.05


def setup_inputs(seed: int = 0) -> dict:
    key = jax.random.key(seed)
    k1, k2, k3, k4 = jax.random.split(key, 4)
    inputs = jax.random.normal(k1, (B, D), dtype=jnp.float32)
    targets = jax.random.randint(k2, (B,), 0, K, dtype=jnp.int64 if jax.config.jax_enable_x64 else jnp.int32).astype(jnp.int32)
    corrected_targets = jax.random.randint(k3, (B,), 0, K).astype(jnp.int32)
    features = jax.random.normal(k4, (K, D), dtype=jnp.float32)
    features = features / jnp.clip(jnp.linalg.norm(features, axis=1, keepdims=True), 1e-12)
    return {"inputs": inputs, "targets": targets, "corrected_targets": corrected_targets, "features": features}


def reference(inputs, targets, corrected_targets, features):
    # F.normalize(inputs, dim=1) with eps clamp like torch
    norms = jnp.clip(jnp.linalg.norm(inputs, axis=1, keepdims=True), 1e-12)
    x = inputs / norms
    # CM.forward: inputs.mm(features.t()); targets only used for the (side-effect) memory update
    logits = x @ features.T
    logits = logits / TEMP
    # F.cross_entropy(outputs, corrected_targets, reduction='mean')
    logZ = jax.scipy.special.logsumexp(logits, axis=1)
    tgt_logit = jnp.take_along_axis(logits, corrected_targets[:, None].astype(jnp.int32), axis=1)[:, 0]
    loss = jnp.mean(logZ - tgt_logit)
    return loss

if __name__ == "__main__":
    import jax
    _d = setup_inputs()
    print(jax.jit(kernel)(*tuple(_d.values())))

</pallas_src>

<mosaic_0001>
#map = affine_map<(d0) -> (0, 0)>
#map1 = affine_map<(d0) -> (0)>
module attributes {stable_mosaic.version = 14 : i64} {
  func.func @_gather_rows(%arg0: i32, %arg1: memref<100000x64xf32, #tpu.memory_space<hbm>>, %arg2: memref<1024xi32, #tpu.memory_space<hbm>>, %arg3: memref<1024x64xf32, #tpu.memory_space<hbm>>, %arg4: memref<512xi32, #tpu.memory_space<smem>>, %arg5: memref<!tpu.dma_semaphore, #tpu.memory_space<semaphore_mem>>) attributes {dimension_semantics = [#tpu.dimension_semantics<core_parallel>], iteration_bounds = array<i64: 2>, scalar_prefetch = 0 : i64, scratch_operands = 2 : i64, tpu.core_type = #tpu.core_type<sc_scalar_subcore>, window_params = [{transform_indices = #map}, {transform_indices = #map1}, {transform_indices = #map}]} {
    %mul3A = arith.constant 512 : i32
    %mul3A_0 = arith.muli %arg0, %mul3A : i32
    "tpu.region"() ({
      %run_scoped3A = tpu.sem_alloc : memref<!tpu.dma_semaphore, #tpu.memory_space<semaphore_mem>>
      %dma_start3A = tpu.memref_slice %arg2[%mul3A_0] : memref<1024xi32, #tpu.memory_space<hbm>> -> memref<512xi32, #tpu.memory_space<hbm>>
      tpu.enqueue_dma source(%dma_start3A : memref<512xi32, #tpu.memory_space<hbm>>) target(%arg4 : memref<512xi32, #tpu.memory_space<smem>>) target_semaphore(%run_scoped3A : memref<!tpu.dma_semaphore, #tpu.memory_space<semaphore_mem>>)
      %dma_wait3A = tpu.memref_slice %arg2[%mul3A_0] : memref<1024xi32, #tpu.memory_space<hbm>> -> memref<512xi32, #tpu.memory_space<hbm>>
      tpu.wait_dma2 semaphore(%run_scoped3A : memref<!tpu.dma_semaphore, #tpu.memory_space<semaphore_mem>>) src(%dma_wait3A : memref<512xi32, #tpu.memory_space<hbm>>) dst(%arg4 : memref<512xi32, #tpu.memory_space<smem>>)
      tpu.yield
    }) : () -> ()
    %scan3A = arith.constant 0 : i32
    %scan3A_1 = arith.constant 0 : i32
    %scan3A_2 = arith.constant 512 : i32
    %scan3A_3 = arith.addi %scan3A_1, %scan3A_2 : i32
    %scan3A_4 = arith.constant 1 : i32
    scf.for %scan3A_12 = %scan3A_1 to %scan3A_3 step %scan3A_4  : i32 {
      %get3A = arith.index_cast %scan3A_12 : i32 to index
      %get3A_13 = memref.load %arg4[%get3A] : memref<512xi32, #tpu.memory_space<smem>>
      %add3A = arith.addi %mul3A_0, %scan3A_12 : i32
      %dma_start3A = arith.constant 0 : i32
      %dma_start3A_14 = tpu.memref_slice %arg3[%add3A, %dma_start3A] : memref<1024x64xf32, #tpu.memory_space<hbm>> -> memref<1x64xf32, #tpu.memory_space<hbm>>
      %dma_start3A_15 = arith.constant 0 : i32
      %dma_start3A_16 = tpu.memref_slice %arg1[%get3A_13, %dma_start3A_15] : memref<100000x64xf32, #tpu.memory_space<hbm>> -> memref<1x64xf32, #tpu.memory_space<hbm>>
      tpu.enqueue_dma source(%dma_start3A_16 : memref<1x64xf32, #tpu.memory_space<hbm>>) target(%dma_start3A_14 : memref<1x64xf32, #tpu.memory_space<hbm>>) target_semaphore(%arg5 : memref<!tpu.dma_semaphore, #tpu.memory_space<semaphore_mem>>)
    }
    %scan3A_5 = arith.constant 512 : i32
    %scan3A_6 = arith.constant 0 : i32
    %scan3A_7 = arith.constant 0 : i32
    %scan3A_8 = arith.constant 512 : i32
    %scan3A_9 = arith.addi %scan3A_7, %scan3A_8 : i32
    %scan3A_10 = arith.constant 1 : i32
    scf.for %scan3A_12 = %scan3A_7 to %scan3A_9 step %scan3A_10  : i32 {
      %dma_wait3A = arith.constant 0 : i32
      %dma_wait3A_13 = tpu.memref_slice %arg3[%mul3A_0, %dma_wait3A] : memref<1024x64xf32, #tpu.memory_space<hbm>> -> memref<1x64xf32, #tpu.memory_space<hbm>>
      %dma_wait3A_14 = arith.constant 0 : i32
      %dma_wait3A_15 = arith.constant 0 : i32
      %dma_wait3A_16 = tpu.memref_slice %arg1[%dma_wait3A_14, %dma_wait3A_15] : memref<100000x64xf32, #tpu.memory_space<hbm>> -> memref<1x64xf32, #tpu.memory_space<hbm>>
      tpu.wait_dma2 semaphore(%arg5 : memref<!tpu.dma_semaphore, #tpu.memory_space<semaphore_mem>>) src(%dma_wait3A_16 : memref<1x64xf32, #tpu.memory_space<hbm>>) dst(%dma_wait3A_13 : memref<1x64xf32, #tpu.memory_space<hbm>>)
    }
    %scan3A_11 = arith.constant 512 : i32
    return
  }
}

module attributes {stable_mosaic.version = 14 : i64} {
  func.func @_sum_kernel(%arg0: i32, %arg1: memref<1024x64xf32, #tpu.memory_space<vmem>>, %arg2: memref<2048x64xf32, #tpu.memory_space<vmem>>, %arg3: memref<1024x1xf32, #tpu.memory_space<vmem>>, %arg4: memref<1024x64xbf16, #tpu.memory_space<vmem>>, %arg5: memref<1024x128xf32, #tpu.memory_space<vmem>>, %arg6: memref<2x1024x2048xf32, #tpu.memory_space<vmem>>) attributes {dimension_semantics = [#tpu.dimension_semantics<arbitrary>], iteration_bounds = array<i64: 50>, scalar_prefetch = 0 : i64, scratch_operands = 3 : i64, tpu.core_type = #tpu.core_type<tc>, window_params = [{pipeline_mode = #tpu.pipeline_mode<synchronous>, transform_indices = @transform_0, window_bounds = array<i64: 1024, 64>}, {transform_indices = @transform_1, window_bounds = array<i64: 2048, 64>}, {pipeline_mode = #tpu.pipeline_mode<synchronous>, transform_indices = @transform_2, window_bounds = array<i64: 1024, 1>}]} {
    %eq3A = arith.constant 0 : i32
    %eq3A_0 = arith.cmpi eq, %arg0, %eq3A : i32
    %convert_element_type3A = arith.extui %eq3A_0 : i1 to i32
    %cond3A = arith.constant 0 : i32
    %cond3A_1 = arith.cmpi ne, %convert_element_type3A, %cond3A : i32
    scf.if %cond3A_1 {
      %get3A_73 = arith.constant 0 : index
      %get3A_74 = arith.constant 0 : index
      %get3A_75 = vector.load %arg1[%get3A_73, %get3A_74] : memref<1024x64xf32, #tpu.memory_space<vmem>>, vector<1024x64xf32>
      %mul3A = arith.mulf %get3A_75, %get3A_75 : vector<1024x64xf32>
      %reduce_sum3A = arith.constant dense<0.000000e+00> : vector<1024xf32>
      %reduce_sum3A_76 = vector.multi_reduction <add>, %mul3A, %reduce_sum3A [1] : vector<1024x64xf32> to vector<1024xf32>
      %broadcast_in_dim3A = vector.shape_cast %reduce_sum3A_76 : vector<1024xf32> to vector<1024x1xf32>
      %sqrt3A = math.sqrt %broadcast_in_dim3A : vector<1024x1xf32>
      %max3A = arith.constant 9.99999996E-13 : f32
      %max3A_77 = vector.broadcast %max3A : f32 to vector<1024x1xf32>
      %max3A_78 = arith.maximumf %sqrt3A, %max3A_77 : vector<1024x1xf32>
      %div3A = arith.constant 2.885390e+01 : f32
      %div3A_79 = vector.broadcast %div3A : f32 to vector<1024x1xf32>
      %div3A_80 = arith.divf %div3A_79, %max3A_78 : vector<1024x1xf32>
      %mul3A_81 = vector.broadcast %div3A_80 : vector<1024x1xf32> to vector<1024x64xf32>
      %mul3A_82 = arith.mulf %get3A_75, %mul3A_81 : vector<1024x64xf32>
      %convert_element_type3A_83 = arith.truncf %mul3A_82 : vector<1024x64xf32> to vector<1024x64xbf16>
      %swap3A_84 = arith.constant 0 : index
      %swap3A_85 = arith.constant 0 : index
      %swap3A_86 = vector.load %arg4[%swap3A_84, %swap3A_85] : memref<1024x64xbf16, #tpu.memory_space<vmem>>, vector<1024x64xbf16>
      tpu.vector_store %arg4[%swap3A_84, %swap3A_85], %convert_element_type3A_83 {strides = array<i32>} : memref<1024x64xbf16, #tpu.memory_space<vmem>>, vector<1024x64xbf16>,
      %broadcast_in_dim3A_87 = arith.constant 0.000000e+00 : f32
      %broadcast_in_dim3A_88 = vector.broadcast %broadcast_in_dim3A_87 : f32 to vector<1024x128xf32>
      %swap3A_89 = arith.constant 0 : index
      %swap3A_90 = arith.constant 0 : index
      %swap3A_91 = vector.load %arg5[%swap3A_89, %swap3A_90] : memref<1024x128xf32, #tpu.memory_space<vmem>>, vector<1024x128xf32>
      tpu.vector_store %arg5[%swap3A_89, %swap3A_90], %broadcast_in_dim3A_88 {strides = array<i32>} : memref<1024x128xf32, #tpu.memory_space<vmem>>, vector<1024x128xf32>,
      %broadcast_in_dim3A_92 = arith.constant 0.000000e+00 : f32
      %broadcast_in_dim3A_93 = vector.broadcast %broadcast_in_dim3A_92 : f32 to vector<2x1024x2048xf32>
      %swap3A_94 = arith.constant 0 : index
      %swap3A_95 = arith.constant 0 : index
      %swap3A_96 = arith.constant 0 : index
      %swap3A_97 = vector.load %arg6[%swap3A_94, %swap3A_95, %swap3A_96] : memref<2x1024x2048xf32, #tpu.memory_space<vmem>>, vector<2x1024x2048xf32>
      tpu.vector_store %arg6[%swap3A_94, %swap3A_95, %swap3A_96], %broadcast_in_dim3A_93 {strides = array<i32>} : memref<2x1024x2048xf32, #tpu.memory_space<vmem>>, vector<2x1024x2048xf32>,
    } else {
    }
    %jit3A = arith.constant 2 : i32
    %eq3A_2 = arith.constant 0 : i32
    %eq3A_3 = arith.cmpi eq, %jit3A, %eq3A_2 : i32
    %jit3A_4 = arith.constant 1 : i32
    %select_n3A = arith.select %eq3A_3, %jit3A_4, %jit3A : i32
    %rem3A = arith.remsi %arg0, %select_n3A : i32
    %ne3A = arith.constant 0 : i32
    %ne3A_5 = arith.cmpi ne, %rem3A, %ne3A : i32
    %lt3A = arith.constant 0 : i32
    %lt3A_6 = arith.cmpi slt, %rem3A, %lt3A : i32
    %lt3A_7 = arith.constant 0 : i32
    %lt3A_8 = arith.cmpi slt, %select_n3A, %lt3A_7 : i32
    %ne3A_9 = arith.xori %lt3A_6, %lt3A_8 : i1
    %and3A = arith.andi %ne3A_9, %ne3A_5 : i1
    %add3A = arith.addi %rem3A, %select_n3A : i32
    %select_n3A_10 = arith.select %and3A, %add3A, %rem3A : i32
    %sub3A = arith.constant 1 : i32
    %sub3A_11 = arith.subi %sub3A, %select_n3A_10 : i32
    %get3A = arith.index_cast %sub3A_11 : i32 to index
    %get3A_12 = arith.constant 0 : index
    %get3A_13 = arith.constant 0 : index
    %get3A_14 = vector.load %arg6[%get3A, %get3A_12, %get3A_13] : memref<2x1024x2048xf32, #tpu.memory_space<vmem>>, vector<1x1024x2048xf32>
    %get3A_15 = vector.shape_cast %get3A_14 : vector<1x1024x2048xf32> to vector<1024x2048xf32>
    %get3A_16 = arith.constant 0 : index
    %get3A_17 = arith.constant 0 : index
    %get3A_18 = vector.load %arg5[%get3A_16, %get3A_17] : memref<1024x128xf32, #tpu.memory_space<vmem>>, vector<1024x128xf32>
    %convert_element_type3A_19 = arith.truncf %get3A_15 : vector<1024x2048xf32> to vector<1024x2048xbf16>
    %exp23A = math.exp2 %convert_element_type3A_19 : vector<1024x2048xbf16>
    %slice3A = vector.extract_strided_slice %exp23A {offsets = [0, 0], sizes = [1024, 128], strides = [1, 1]} : vector<1024x2048xbf16> to vector<1024x128xbf16>
    %slice3A_20 = vector.extract_strided_slice %exp23A {offsets = [0, 128], sizes = [1024, 128], strides = [1, 1]} : vector<1024x2048xbf16> to vector<1024x128xbf16>
    %add3A_21 = arith.addf %slice3A, %slice3A_20 : vector<1024x128xbf16>
    %slice3A_22 = vector.extract_strided_slice %exp23A {offsets = [0, 256], sizes = [1024, 128], strides = [1, 1]} : vector<1024x2048xbf16> to vector<1024x128xbf16>
    %add3A_23 = arith.addf %add3A_21, %slice3A_22 : vector<1024x128xbf16>
    %slice3A_24 = vector.extract_strided_slice %exp23A {offsets = [0, 384], sizes = [1024, 128], strides = [1, 1]} : vector<1024x2048xbf16> to vector<1024x128xbf16>
    %add3A_25 = arith.addf %add3A_23, %slice3A_24 : vector<1024x128xbf16>
    %slice3A_26 = vector.extract_strided_slice %exp23A {offsets = [0, 512], sizes = [1024, 128], strides = [1, 1]} : vector<1024x2048xbf16> to vector<1024x128xbf16>
    %add3A_27 = arith.addf %add3A_25, %slice3A_26 : vector<1024x128xbf16>
    %slice3A_28 = vector.extract_strided_slice %exp23A {offsets = [0, 640], sizes = [1024, 128], strides = [1, 1]} : vector<1024x2048xbf16> to vector<1024x128xbf16>
    %add3A_29 = arith.addf %add3A_27, %slice3A_28 : vector<1024x128xbf16>
    %slice3A_30 = vector.extract_strided_slice %exp23A {offsets = [0, 768], sizes = [1024, 128], strides = [1, 1]} : vector<1024x2048xbf16> to vector<1024x128xbf16>
    %add3A_31 = arith.addf %add3A_29, %slice3A_30 : vector<1024x128xbf16>
    %slice3A_32 = vector.extract_strided_slice %exp23A {offsets = [0, 896], sizes = [1024, 128], strides = [1, 1]} : vector<1024x2048xbf16> to vector<1024x128xbf16>
    %add3A_33 = arith.addf %add3A_31, %slice3A_32 : vector<1024x128xbf16>
    %slice3A_34 = vector.extract_strided_slice %exp23A {offsets = [0, 1024], sizes = [1024, 128], strides = [1, 1]} : vector<1024x2048xbf16> to vector<1024x128xbf16>
    %add3A_35 = arith.addf %add3A_33, %slice3A_34 : vector<1024x128xbf16>
    %slice3A_36 = vector.extract_strided_slice %exp23A {offsets = [0, 1152], sizes = [1024, 128], strides = [1, 1]} : vector<1024x2048xbf16> to vector<1024x128xbf16>
    %add3A_37 = arith.addf %add3A_35, %slice3A_36 : vector<1024x128xbf16>
    %slice3A_38 = vector.extract_strided_slice %exp23A {offsets = [0, 1280], sizes = [1024, 128], strides = [1, 1]} : vector<1024x2048xbf16> to vector<1024x128xbf16>
    %add3A_39 = arith.addf %add3A_37, %slice3A_38 : vector<1024x128xbf16>
    %slice3A_40 = vector.extract_strided_slice %exp23A {offsets = [0, 1408], sizes = [1024, 128], strides = [1, 1]} : vector<1024x2048xbf16> to vector<1024x128xbf16>
    %add3A_41 = arith.addf %add3A_39, %slice3A_40 : vector<1024x128xbf16>
    %slice3A_42 = vector.extract_strided_slice %exp23A {offsets = [0, 1536], sizes = [1024, 128], strides = [1, 1]} : vector<1024x2048xbf16> to vector<1024x128xbf16>
    %add3A_43 = arith.addf %add3A_41, %slice3A_42 : vector<1024x128xbf16>
    %slice3A_44 = vector.extract_strided_slice %exp23A {offsets = [0, 1664], sizes = [1024, 128], strides = [1, 1]} : vector<1024x2048xbf16> to vector<1024x128xbf16>
    %add3A_45 = arith.addf %add3A_43, %slice3A_44 : vector<1024x128xbf16>
    %slice3A_46 = vector.extract_strided_slice %exp23A {offsets = [0, 1792], sizes = [1024, 128], strides = [1, 1]} : vector<1024x2048xbf16> to vector<1024x128xbf16>
    %add3A_47 = arith.addf %add3A_45, %slice3A_46 : vector<1024x128xbf16>
    %slice3A_48 = vector.extract_strided_slice %exp23A {offsets = [0, 1920], sizes = [1024, 128], strides = [1, 1]} : vector<1024x2048xbf16> to vector<1024x128xbf16>
    %add3A_49 = arith.addf %add3A_47, %slice3A_48 : vector<1024x128xbf16>
    %convert_element_type3A_50 = arith.extf %add3A_49 : vector<1024x128xbf16> to vector<1024x128xf32>
    %add3A_51 = arith.addf %get3A_18, %convert_element_type3A_50 : vector<1024x128xf32>
    %swap3A = arith.constant 0 : index
    %swap3A_52 = arith.constant 0 : index
    %swap3A_53 = vector.load %arg5[%swap3A, %swap3A_52] : memref<1024x128xf32, #tpu.memory_space<vmem>>, vector<1024x128xf32>
    tpu.vector_store %arg5[%swap3A, %swap3A_52], %add3A_51 {strides = array<i32>} : memref<1024x128xf32, #tpu.memory_space<vmem>>, vector<1024x128xf32>,
    %get3A_54 = arith.constant 0 : index
    %get3A_55 = arith.constant 0 : index
    %get3A_56 = vector.load %arg4[%get3A_54, %get3A_55] : memref<1024x64xbf16, #tpu.memory_space<vmem>>, vector<1024x64xbf16>
    %get3A_57 = arith.constant 0 : index
    %get3A_58 = arith.constant 0 : index
    %get3A_59 = vector.load %arg2[%get3A_57, %get3A_58] : memref<2048x64xf32, #tpu.memory_space<vmem>>, vector<2048x64xf32>
    %convert_element_type3A_60 = arith.truncf %get3A_59 : vector<2048x64xf32> to vector<2048x64xbf16>
    %dot_general3A = arith.constant dense<0.000000e+00> : vector<1024x2048xf32>
    %dot_general3A_61 = tpu.matmul %get3A_56, %convert_element_type3A_60, %dot_general3A {dimension_numbers = #tpu.dot_dimension_numbers<[1], [1], [0], [0], [0, 0, 1, 0], [], []>, transpose_lhs_hint = false} : vector<1024x64xbf16>, vector<2048x64xbf16>, vector<1024x2048xf32> -> vector<1024x2048xf32>
    %swap3A_62 = arith.index_cast %select_n3A_10 : i32 to index
    %swap3A_63 = arith.constant 0 : index
    %swap3A_64 = arith.constant 0 : index
    %swap3A_65 = vector.load %arg6[%swap3A_62, %swap3A_63, %swap3A_64] : memref<2x1024x2048xf32, #tpu.memory_space<vmem>>, vector<1x1024x2048xf32>
    %swap3A_66 = vector.shape_cast %swap3A_65 : vector<1x1024x2048xf32> to vector<1024x2048xf32>
    %swap3A_67 = vector.shape_cast %dot_general3A_61 : vector<1024x2048xf32> to vector<1x1024x2048xf32>
    tpu.vector_store %arg6[%swap3A_62, %swap3A_63, %swap3A_64], %swap3A_67 {strides = array<i32>} : memref<2x1024x2048xf32, #tpu.memory_space<vmem>>, vector<1x1024x2048xf32>,
    %eq3A_68 = arith.constant 49 : i32
    %eq3A_69 = arith.cmpi eq, %arg0, %eq3A_68 : i32
    %convert_element_type3A_70 = arith.extui %eq3A_69 : i1 to i32
    %cond3A_71 = arith.constant 0 : i32
    %cond3A_72 = arith.cmpi ne, %convert_element_type3A_70, %cond3A_71 : i32
    scf.if %cond3A_72 {
      %get3A_73 = arith.constant 0 : index
      %get3A_74 = arith.constant 0 : index
      %get3A_75 = vector.load %arg5[%get3A_73, %get3A_74] : memref<1024x128xf32, #tpu.memory_space<vmem>>, vector<1024x128xf32>
      %reduce_sum3A = arith.constant dense<0.000000e+00> : vector<1024xf32>
      %reduce_sum3A_76 = vector.multi_reduction <add>, %get3A_75, %reduce_sum3A [1] : vector<1024x128xf32> to vector<1024xf32>
      %broadcast_in_dim3A = vector.shape_cast %reduce_sum3A_76 : vector<1024xf32> to vector<1024x1xf32>
      %sub3A_77 = arith.constant 2.400000e+03 : f32
      %sub3A_78 = vector.broadcast %sub3A_77 : f32 to vector<1024x1xf32>
      %sub3A_79 = arith.subf %broadcast_in_dim3A, %sub3A_78 : vector<1024x1xf32>
      %swap3A_80 = arith.constant 0 : index
      %swap3A_81 = arith.constant 0 : index
      %swap3A_82 = vector.load %arg3[%swap3A_80, %swap3A_81] : memref<1024x1xf32, #tpu.memory_space<vmem>>, vector<1024x1xf32>
      tpu.vector_store %arg3[%swap3A_80, %swap3A_81], %sub3A_79 {strides = array<i32>} : memref<1024x1xf32, #tpu.memory_space<vmem>>, vector<1024x1xf32>,
    } else {
    }
    return
  }
  func.func @transform_0(%arg0: i32) -> (i32, i32) {
    %c0_i32 = arith.constant 0 : i32
    %c0_i32_0 = arith.constant 0 : i32
    %c0_i32_1 = arith.constant 0 : i32
    return %c0_i32, %c0_i32_0 : i32, i32
  }
  func.func @transform_1(%arg0: i32) -> (i32, i32) {
    %min3A = arith.constant 48 : i32
    %min3A_0 = arith.minsi %arg0, %min3A : i32
    %c0_i32 = arith.constant 0 : i32
    %c0_i32_1 = arith.constant 0 : i32
    return %min3A_0, %c0_i32 : i32, i32
  }
  func.func @transform_2(%arg0: i32) -> (i32, i32) {
    %c0_i32 = arith.constant 0 : i32
    %c0_i32_0 = arith.constant 0 : i32
    %c0_i32_1 = arith.constant 0 : i32
    return %c0_i32, %c0_i32_0 : i32, i32
  }
}

module attributes {stable_mosaic.version = 14 : i64} {
  func.func @_combine_kernel(%arg0: memref<1024x64xf32, #tpu.memory_space<vmem>>, %arg1: memref<1024x64xf32, #tpu.memory_space<vmem>>, %arg2: memref<1024x1xf32, #tpu.memory_space<vmem>>, %arg3: memref<1x1xf32, #tpu.memory_space<vmem>>) attributes {dimension_semantics = [], scalar_prefetch = 0 : i64, scratch_operands = 0 : i64, tpu.core_type = #tpu.core_type<tc>} {
    %get3A = arith.constant 0 : index
    %get3A_0 = arith.constant 0 : index
    %get3A_1 = vector.load %arg0[%get3A, %get3A_0] : memref<1024x64xf32, #tpu.memory_space<vmem>>, vector<1024x64xf32>
    %mul3A = arith.mulf %get3A_1, %get3A_1 : vector<1024x64xf32>
    %reduce_sum3A = arith.constant dense<0.000000e+00> : vector<1024xf32>
    %reduce_sum3A_2 = vector.multi_reduction <add>, %mul3A, %reduce_sum3A [1] : vector<1024x64xf32> to vector<1024xf32>
    %broadcast_in_dim3A = vector.shape_cast %reduce_sum3A_2 : vector<1024xf32> to vector<1024x1xf32>
    %sqrt3A = math.sqrt %broadcast_in_dim3A : vector<1024x1xf32>
    %max3A = arith.constant 9.99999996E-13 : f32
    %max3A_3 = vector.broadcast %max3A : f32 to vector<1024x1xf32>
    %max3A_4 = arith.maximumf %sqrt3A, %max3A_3 : vector<1024x1xf32>
    %div3A = arith.constant 2.000000e+01 : f32
    %div3A_5 = vector.broadcast %div3A : f32 to vector<1024x1xf32>
    %div3A_6 = arith.divf %div3A_5, %max3A_4 : vector<1024x1xf32>
    %mul3A_7 = vector.broadcast %div3A_6 : vector<1024x1xf32> to vector<1024x64xf32>
    %mul3A_8 = arith.mulf %get3A_1, %mul3A_7 : vector<1024x64xf32>
    %get3A_9 = arith.constant 0 : index
    %get3A_10 = arith.constant 0 : index
    %get3A_11 = vector.load %arg1[%get3A_9, %get3A_10] : memref<1024x64xf32, #tpu.memory_space<vmem>>, vector<1024x64xf32>
    %mul3A_12 = arith.mulf %mul3A_8, %get3A_11 : vector<1024x64xf32>
    %reduce_sum3A_13 = arith.constant dense<0.000000e+00> : vector<1024xf32>
    %reduce_sum3A_14 = vector.multi_reduction <add>, %mul3A_12, %reduce_sum3A_13 [1] : vector<1024x64xf32> to vector<1024xf32>
    %broadcast_in_dim3A_15 = vector.shape_cast %reduce_sum3A_14 : vector<1024xf32> to vector<1024x1xf32>
    %get3A_16 = arith.constant 0 : index
    %get3A_17 = arith.constant 0 : index
    %get3A_18 = vector.load %arg2[%get3A_16, %get3A_17] : memref<1024x1xf32, #tpu.memory_space<vmem>>, vector<1024x1xf32>
    %log3A = math.log %get3A_18 : vector<1024x1xf32>
    %sub3A = arith.subf %log3A, %broadcast_in_dim3A_15 : vector<1024x1xf32>
    %reduce_sum3A_19 = vector.shape_cast %sub3A : vector<1024x1xf32> to vector<1x1024x1xf32>
    %reduce_sum3A_20 = arith.constant dense<0.000000e+00> : vector<1xf32>
    %reduce_sum3A_21 = vector.multi_reduction <add>, %reduce_sum3A_19, %reduce_sum3A_20 [1, 2] : vector<1x1024x1xf32> to vector<1xf32>
    %reduce_sum3A_22 = vector.shape_cast %reduce_sum3A_21 : vector<1xf32> to vector<1x1x1xf32>
    %reduce_sum3A_23 = vector.extract %reduce_sum3A_22[0, 0, 0] : f32 from vector<1x1x1xf32>
    %div3A_24 = arith.constant 1.024000e+03 : f32
    %div3A_25 = arith.divf %reduce_sum3A_23, %div3A_24 : f32
    %reshape3A = vector.broadcast %div3A_25 : f32 to vector<1x1xf32>
    %swap3A = arith.constant 0 : index
    %swap3A_26 = arith.constant 0 : index
    %swap3A_27 = vector.load %arg3[%swap3A, %swap3A_26] : memref<1x1xf32, #tpu.memory_space<vmem>>, vector<1x1xf32>
    tpu.vector_store %arg3[%swap3A, %swap3A_26], %reshape3A {strides = array<i32>} : memref<1x1xf32, #tpu.memory_space<vmem>>, vector<1x1xf32>,
    return
  }
}

</mosaic_0001>

<sc_bundles>
// kernel: _run.5.cloned.1.call-start
scs
__scs_entry_jumppad:
0x0: {  	(pc) =	sbr.rel $0x88, $3  }
0x1: {  	(tag) =	ssettag $0x0;
	lr =	simm.s32 $0x1  }
0x2: {  	[smem:$0x3F9E] =	sst lr;
	_ =	strace $0xD0000000  }
0x3: {  	_ = 	snop  }
0x4: {  	_ = 	snop  }
0x5: {  	_ = 	snop  }
0x6: {  	_ = 	snop  }
0x7: {  	_ = 	snop  }
__scs_overlays_trampoline_lowered:
0x8: {  	[smem:$0x3FAD] =	sst s0  }
0x9: {  	[smem:$0x3FAE] =	sst s1  }
0xa: {  	[smem:$0x3FAF] =	sst s2  }
0xb: {  	[smem:$0x3FB0] =	sst s3  }
0xc: {  	[smem:$0x3FB1] =	sst s4  }
0xd: {  	[smem:$0x3FB2] =	sst s5  }
0xe: {  	[smem:$0x3FB3] =	sst s6  }
0xf: {  	[smem:$0x3FB4] =	sst s7  }
0x10: {  	[smem:$0x3FB5] =	sst s8  }
0x11: {  	[smem:$0x3FB6] =	sst s9;
	s0 =	simm.s32 @!p0 $0x0  }
0x12: {  	s1 =	sld [smem:$0x3F9C];
	s0 =	simm.s32 @p0 $0x1  }
0x13: {  	[smem:$0x3FB7] =	sst s0;
	s0 =	simm.s32 @!p1 $0x0  }
0x14: {  	s2 =	sld [smem:$0x3F9B];
	s0 =	simm.s32 @p1 $0x1  }
0x15: {  	[smem:$0x3FB8] =	sst s0;
	s0 =	simm.s32 @!p2 $0x0  }
0x16: {  	s3 =	sld [smem:$0x3FDB];
	s0 =	simm.s32 @p2 $0x1  }
0x17: {  	s4 =	simm.s32 $0x1BF5;
	[smem:$0x3FBA] =	sst s0  }
0x18: {  	s0 =	sld [smem:$0x3F9D];
	_ =	swait.ge [sflag:s4], $0x0  }
0x19: {  	s7 =	sld [smem:$0x3F9E]  }
0x1a: {  	s8 =	sadd.s32 $0xFFFFE003, lr  }
0x1b: {  	s9 =	sadd.s32 $0xFFFFFEF7, lr;
	s5 =	simm.s32 $0xFFFFFFFF;
	p2 =	slt.u32 s8, $0xFFFFF086  }
0x1c: {  	p1 =	slt.u32 s9, $0xF7A;
	s5 =	simm.s32 @!p2 $0x0  }
0x1d: {  	s5 =	simm.s32 @p1 $0x1;
	p0 =	seq.s32 s7, s2  }
0x1e: {  	s7 =	smul.u32 @!p0 $0xF7A, s2;
	p2 =	seq.s32 @!p0 s5, $0x0  }
0x1f: {  	s9 =	smul.u32 $0xF7A, s1;
	s8 =	simm.s32 @!p0 $0x1BF5;
	p2 =	por !p2, p0  }
0x20: {  	[sflag:s8] =	ssyncset.s32 @!p0 $0xFFFFF086;
	s6 =	sadd.s32 @!p0 s3, s7;
	s7 =	simm.s32 @!p0 $0x108  }
0x21: {  	s3 =	sadd.s32 s3, s9;
	s6 =	sadd.s32 @!p0 $0x88, s6;
	s7 =	simm.s32 @p2 $0x1082  }
0x22: {  	[simem:s7], [sflag:s8] =	dma.local @!p0 [hbm:s6], $0xF7A  }
0x23: {  	s9 =	sor.u32 $0xD0000000, s2;
	s6 =	simm.s32 $0x108;
	_ =	swait.ge @!p0 [sflag:s8], $0x0  }
0x24: {  	s3 =	sadd.s32 $0x88, s3;
	s6 =	simm.s32 @!p1 $0x1082;
	[sflag:s4] =	ssyncset.s32 $0xFFFFF086  }
0x25: {  	[simem:s6], [sflag:s4] =	dma.local [hbm:s3], $0xF7A  }
0x26: {  	[smem:$0x3F9E] =	sst s1;
	(tag) =	ssettag s2;
	_ =	strace s9  }
0x27: {  	s1 =	sld [smem:$0x3FAE]  }
0x28: {  	s2 =	sld [smem:$0x3FAF]  }
0x29: {  	s4 =	sld [smem:$0x3FB1]  }
0x2a: {  	p0 =	seq.s32 s5, $0x0;
	s5 =	sld [smem:$0x3FB2]  }
0x2b: {  	s6 =	sld [smem:$0x3FB3]  }
0x2c: {  	s7 =	sld [smem:$0x3FB4]  }
0x2d: {  	s3 =	simm.s32 $0x108;
	s8 =	sld [smem:$0x3FB5]  }
0x2e: {  	s3 =	simm.s32 @!p0 $0x1082;
	s9 =	sld [smem:$0x3FB6]  }
0x2f: {  	lr =	sadd.s32 s0, s3;
	s0 =	sld [smem:$0x3FAD]  }
0x30: {  	s3 =	sld [smem:$0x3FB0]  }
0x31: {  	[smem:$0x3FB9] =	sst s10  }
0x32: {  	s10 =	sld [smem:$0x3FB7];
	_ =	sdelay $0x3  }
0x33: {  	p0 =	seq.s32 s10, $0x1;
	s10 =	sld [smem:$0x3FB9];
	_ =	sdelay $0x3  }
0x34: {  	[smem:$0x3FB9] =	sst s10  }
0x35: {  	s10 =	sld [smem:$0x3FB8];
	_ =	sdelay $0x3  }
0x36: {  	p1 =	seq.s32 s10, $0x1;
	s10 =	sld [smem:$0x3FB9];
	_ =	sdelay $0x3  }
0x37: {  	[smem:$0x3FB9] =	sst s10  }
0x38: {  	s10 =	sld [smem:$0x3FBA]  }
0x39: {  	_ = 	snop;
	(pc) =	sbr.ind lr, $3  }
0x3a: {  	_ = 	snop  }
0x3b: {  	_ = 	snop  }
0x3c: {  	p2 =	seq.s32 s10, $0x1;
	s10 =	sld [smem:$0x3FB9]  }
0x3d: {  	_ =	shalt  }
0x3e: {  	_ =	shalt  }
0x3f: {  	_ =	shalt  }
0x40: {  	_ =	shalt  }
0x41: {  	_ =	shalt  }
0x42: {  	_ =	shalt  }
0x43: {  	_ =	shalt  }
0x44: {  	_ =	shalt  }
0x45: {  	_ =	shalt  }
0x46: {  	_ =	shalt  }
0x47: {  	_ =	shalt  }
0x48: {  	_ =	shalt  }
0x49: {  	_ =	shalt  }
0x4a: {  	_ =	shalt  }
0x4b: {  	_ =	shalt  }
0x4c: {  	_ =	shalt  }
0x4d: {  	_ =	shalt  }
0x4e: {  	_ =	shalt  }
0x4f: {  	_ =	shalt  }
0x50: {  	_ =	shalt  }
0x51: {  	_ =	shalt  }
0x52: {  	_ =	shalt  }
0x53: {  	_ =	shalt  }
0x54: {  	_ =	shalt  }
0x55: {  	_ =	shalt  }
0x56: {  	_ =	shalt  }
0x57: {  	_ =	shalt  }
0x58: {  	_ =	shalt  }
0x59: {  	_ =	shalt  }
0x5a: {  	_ =	shalt  }
0x5b: {  	_ =	shalt  }
0x5c: {  	_ =	shalt  }
0x5d: {  	_ =	shalt  }
0x5e: {  	_ =	shalt  }
0x5f: {  	_ =	shalt  }
0x60: {  	_ =	shalt  }
0x61: {  	_ =	shalt  }
0x62: {  	_ =	shalt  }
0x63: {  	_ =	shalt  }
0x64: {  	_ =	shalt  }
0x65: {  	_ =	shalt  }
0x66: {  	_ =	shalt  }
0x67: {  	_ =	shalt  }
0x68: {  	_ =	shalt  }
0x69: {  	_ =	shalt  }
0x6a: {  	_ =	shalt  }
0x6b: {  	_ =	shalt  }
0x6c: {  	_ =	shalt  }
0x6d: {  	_ =	shalt  }
0x6e: {  	_ =	shalt  }
0x6f: {  	_ =	shalt  }
0x70: {  	_ =	shalt  }
0x71: {  	_ =	shalt  }
0x72: {  	_ =	shalt  }
0x73: {  	_ =	shalt  }
0x74: {  	_ =	shalt  }
0x75: {  	_ =	shalt  }
0x76: {  	_ =	shalt  }
0x77: {  	_ =	shalt  }
0x78: {  	_ =	shalt  }
0x79: {  	_ =	shalt  }
0x7a: {  	_ =	shalt  }
0x7b: {  	_ =	shalt  }
0x7c: {  	_ =	shalt  }
0x7d: {  	_ =	shalt  }
0x7e: {  	_ =	shalt  }
0x7f: {  	_ =	shalt  }
0x80: {  	_ =	shalt  }
0x81: {  	_ =	shalt  }
0x82: {  	_ =	shalt  }
0x83: {  	_ =	shalt  }
0x84: {  	_ =	shalt  }
0x85: {  	_ =	shalt  }
0x86: {  	_ =	shalt  }
0x87: {  	_ =	shalt  }
.Lfunc_end0:
.L_simem_size_0:
called_computation_lowered:
.L_overlay_start_0:
0x88: {  	s2 =	sld [smem:$0x3FD9]  }
0x89: {  	s3 =	sld [smem:$0x3FFE];
	_ =	sdelay $0x1  }
0x8a: {  	s1 =	srdreg.scid  }
0x8b: {  	s0 =	sand.u32 $0x1, s1  }
0x8c: {  	s21 =	sshll.u32 s0, $0xA;
	s2 =	sadd.s32 s3, s2  }
0x8d: {  	s2 =	sadd.s32 s2, s21  }
0x8e: {  	s22 =	simm.s32 $0x0;
	[smem:$0x3FC5] =	sst s2  }
0x8f: {  	[smem:$0xF] =	sst s22  }
0x90: {  	s2 =	sld [smem:$0x3FC8];
	(tm) =	ssettm $0x1  }
0x91: {  	s23 =	sld [smem:$0x3FFB];
	_ =	sdelay $0x3  }
0x92: {  	_ =	strace s23  }
0x93: {  	s3 =	sld [smem:$0x3FFC];
	_ =	sdelay $0x3  }
0x94: {  	_ =	strace s3  }
0x95: {  	s3 =	sld [smem:$0x3FFD];
	_ =	sdelay $0x3  }
0x96: {  	_ =	strace s3  }
0x97: {  	s24 =	simm.s32 $0x1B8B;
	_ =	strace $0x8FFFFFFF  }
0x98: {  	_ =	swait.ge [sflag:s24], $0x1  }
0x99: {  	[sflag:s24] =	ssyncset.done $0x0  }
0x9a: {  	s4 =	simm.s32 $0x1B8E;
	s28 =	simm.s32 $0xA;
	[sflag:s24] =	ssyncadd.s32 $0xFFFFFFFF  }
0x9b: {  	s5 =	simm.s32 $0x10;
	s26 =	sshll.u32 s0, $0x6;
	[smem:$0x3FD2] =	sst s4  }
0x9c: {  	s2 =	sadd.s32 s26, s2;
	s25 =	sld [smem:$0x3FFE];
	_ =	strace $0x80000046  }
0x9d: {  	[smem:s5], [sflag:s28] =	dma.local [hbm:s2], $0x40  }
0x9e: {  	_ =	swait.ge [sflag:s28], $0x40  }
0x9f: {  	[sflag:s28] =	ssyncset.done $0x0  }
0xa0: {  	[sflag:s28] =	ssyncadd.s32 $0xFFFFFFC0  }
0xa1: {  	s29 =	sld [smem:$0x10];
	_ =	sdelay $0x3  }
0xa2: {  	s30 =	sshll.u32 s0, $0xD;
	s31 =	sshll.u32 s29, $0x4  }
0xa3: {  	s2 =	sadd.s32 $0x800, s25;
	s3 =	sadd.s32 s30, s25;
	s5 =	sand.u32 $0x1FFFFFF0, s31  }
0xa4: {  	s4 =	sadd.s32 $0x187200, s3;
	s3 =	simm.s32 $0x9;
	s5 =	sadd.s32 s2, s5  }
0xa5: {  	[hbm:s4], [sflag:s3] =	dma.local [hbm:s5], $0x10  }
0xa6: {  	s5 =	simm.s32 $0x8;
	s6 =	sld [smem:$0x11]  }
.LBB1_1:
0xa7: {  	p0 =	sne.s32 s5, $0x7FC;
	_ =	sdelay $0x2  }
0xa8: {  	s6 =	sshll.u32 s6, $0x4  }
.Ltmp0:
0xa9: {  	s6 =	sand.u32 $0x1FFFFFF0, s6;
	(pc) =	sbr.rel @p0 .LBB1_1-.Ltmp0, $3  }
0xaa: {  	s7 =	sshra.s32 s5, $0x2;
	s4 =	sadd.s32 $0x10, s4;
	s6 =	sadd.s32 s2, s6  }
0xab: {  	[hbm:s4], [sflag:s3] =	dma.local [hbm:s6], $0x10  }
0xac: {  	s5 =	sadd.s32 $0x4, s5;
	s6 =	sld [smem:s7+$0x10]  }
0xad: {  	_ =	sdelay $0x2  }
0xae: {  	s5 =	sshll.u32 s6, $0x4  }
0xaf: {  	s5 =	sand.u32 $0x1FFFFFF0, s5  }
0xb0: {  	s4 =	sadd.s32 $0x10, s4;
	s2 =	sadd.s32 s2, s5  }
0xb1: {  	[hbm:s4], [sflag:s3] =	dma.local [hbm:s2], $0x10  }
0xb2: {  	s2 =	simm.s32 $0x9  }
0xb3: {  	_ =	swait.ge [sflag:s2], $0x10  }
0xb4: {  	s3 =	simm.s32 $0x1FF;
	[sflag:s2] =	ssyncset.done $0x0  }
.LBB1_3:
0xb5: {  	p0 =	sne.s32 s3, $0x1;
	s3 =	sadd.s32 $0xFFFFFFFF, s3;
	[sflag:s2] =	ssyncadd.s32 $0xFFFFFFF0  }
.Ltmp1:
0xb6: {  	(pc) =	sbr.rel @p0 .LBB1_3-.Ltmp1, $3  }
0xb7: {  	_ = 	snop  }
0xb8: {  	_ =	swait.ge [sflag:s2], $0x10  }
0xb9: {  	[sflag:s2] =	ssyncset.done $0x0  }
0xba: {  	[sflag:s2] =	ssyncadd.s32 $0xFFFFFFF0  }
0xbb: {  	_ =	strace $0x90000046  }
0xbc: {  	_ =	sfence  }
0xbd: {  	s30 =	sld [smem:$0x0];
	_ =	sdelay $0x2  }
0xbe: {  	s3 =	sshll.u32 s1, $0xD;
	s31 =	sshrl.u32 s1, $0x2  }
0xbf: {  	s3 =	sand.u32 $0x4000, s3;
	s1 =	sadd.s32 s31, s30  }
0xc0: {  	s0 =	sor.u32 s3, s0;
	s1 =	sshll.u32 s1, $0x11  }
0xc1: {  	s0 =	sor.u32 s1, s0  }
0xc2: {  	s0 =	sadd.s32 $0x8F2B, s0;
	(pc) =	sbr.abs _section_cstart, $3  }
0xc3: {  	[sflag:s0] =	ssyncadd.remote.s32 $0x1  }
0xc4: {  	_ =	strace $0x9FFFFFFF  }
0xc5: {  	(tm) =	ssettm $0x7FFFFFFF  }

</sc_bundles>
